<compile_context>
chip_gen: v7x
topology: tpu7x:2x2x1
jax: 0.10.2.dev20260603
libtpu: 0.0.44.dev20260713+nightly
codegen_flags: <defaults>
</compile_context>

<pallas_src>
import functools

import numpy as np
import jax
import jax.numpy as jnp
from jax import lax
from jax.experimental import pallas as pl
from jax.experimental.pallas import tpu as pltpu
from jax.experimental.pallas import tpu_sc as plsc

_T = 2048
_F = _T // 2
_D = 1024
_P = 512
_NS = 88
_B = 4

_TC = 512


def _dft_cs() -> np.ndarray:
    t = np.arange(_T, dtype=np.int64)
    f = np.arange(1, _F + 1, dtype=np.int64)
    mod = (f[:, None] * t[None, :]) % _T
    ang = mod.astype(np.float64) * (2.0 * np.pi / _T)
    s = 1.0 / np.sqrt(_T)
    return np.concatenate(
        [np.cos(ang) * s, np.sin(ang) * s], axis=0).astype(np.float32)


_CS = _dft_cs()


def _proj_body(x_ref, w_ref, o_ref):
    xm = x_ref[0].reshape(_TC, 4 * _D).astype(jnp.bfloat16)
    xp = lax.dot_general(
        xm, w_ref[:], (((1,), (0,)), ((), ())),
        preferred_element_type=jnp.float32)
    o_ref[0] = xp.astype(jnp.bfloat16)


def _dft_top2_body(xp_ref, cs_ref, wg_ref, d_ref, i_ref):
    reim = lax.dot_general(
        cs_ref[:], xp_ref[0], (((1,), (0,)), ((), ())),
        preferred_element_type=jnp.float32)
    re = reim[:_F]
    im = reim[_F:]
    amp = jnp.sqrt(re * re + im * im)
    ampbar = jnp.sum(amp, axis=1, keepdims=True) * (1.0 / _P)
    w = lax.dot_general(
        ampbar, wg_ref[:], (((0,), (0,)), ((), ())),
        preferred_element_type=jnp.float32)
    col = lax.broadcasted_iota(jnp.int32, (1, _NS), 1)
    big = jnp.int32(10**9)
    m1 = jnp.max(w, axis=1, keepdims=True)
    i1 = jnp.min(jnp.where(w == m1, col, big), axis=1, keepdims=True)
    w2 = jnp.where(col == i1, -jnp.inf, w)
    m2 = jnp.max(w2, axis=1, keepdims=True)
    i2 = jnp.min(jnp.where(w2 == m2, col, big), axis=1, keepdims=True)
    e2 = jnp.exp(m2 - m1)
    g1 = 1.0 / (1.0 + e2)
    g2 = e2 * g1
    col32 = lax.broadcasted_iota(jnp.int32, (1, 32), 1)
    d_ref[0] = jnp.where(col32 < 16, g1, g2)
    i_ref[0] = jnp.where(col32 < 16, i1, i2)


_NPAD = 96
_SC_MESH = plsc.VectorSubcoreMesh(core_axis_name="c", subcore_axis_name="s")


@functools.partial(
    pl.kernel,
    mesh=_SC_MESH,
    out_type=jax.ShapeDtypeStruct((_B * _NS,), jnp.float32),
    scratch_types=[
        pltpu.VMEM((32,), jnp.float32),
        pltpu.VMEM((32,), jnp.int32),
        pltpu.VMEM((_NPAD,), jnp.float32),
    ],
)
def _sc_gate(df_hbm, di_hbm, out_hbm, g_v, i_v, gates_v):
    wid = lax.axis_index("s") * 2 + lax.axis_index("c")

    @pl.when(wid < _B)
    def _():
        lanes = lax.iota(jnp.int32, 16)
        zero = jnp.zeros((16,), jnp.float32)
        pltpu.sync_copy(df_hbm.at[pl.ds(wid * 32, 32)], g_v)
        pltpu.sync_copy(di_hbm.at[pl.ds(wid * 32, 32)], i_v)
        g1v = g_v[pl.ds(0, 16)]
        g2v = g_v[pl.ds(16, 16)]
        i1v = i_v[pl.ds(0, 16)]
        i2v = i_v[pl.ds(16, 16)]
        for j in range(_NPAD // 16):
            gidx = lanes + jnp.full((16,), j * 16, jnp.int32)
            cj = (jnp.where(gidx == i1v, g1v, zero)
                  + jnp.where(gidx == i2v, g2v, zero))
            gates_v[pl.ds(j * 16, 16)] = cj
        pltpu.sync_copy(gates_v.at[pl.ds(0, _NS)],
                        out_hbm.at[pl.ds(wid * _NS, _NS)])


@jax.jit
def _run(x, W_in, w_gate):
    w4 = (jnp.tile(W_in, (4, 1)) * 0.25).astype(jnp.bfloat16)
    cs = jnp.asarray(_CS).astype(jnp.bfloat16)
    xp = pl.pallas_call(
        _proj_body,
        grid=(_B, _T // _TC),
        in_specs=[
            pl.BlockSpec((1, _TC, 1, 2, 2, _D),
                         lambda b, t: (b, t, 0, 0, 0, 0)),
            pl.BlockSpec((4 * _D, _P), lambda b, t: (0, 0)),
        ],
        out_specs=pl.BlockSpec((1, _TC, _P), lambda b, t: (b, t, 0)),
        out_shape=jax.ShapeDtypeStruct((_B, _T, _P), jnp.bfloat16),
    )(x, w4)

    df, di = pl.pallas_call(
        _dft_top2_body,
        grid=(_B,),
        in_specs=[
            pl.BlockSpec((1, _T, _P), lambda b: (b, 0, 0)),
            pl.BlockSpec((2 * _F, _T), lambda b: (0, 0)),
            pl.BlockSpec((_F, _NS), lambda b: (0, 0)),
        ],
        out_specs=[
            pl.BlockSpec((1, 1, 32), lambda b: (b, 0, 0)),
            pl.BlockSpec((1, 1, 32), lambda b: (b, 0, 0)),
        ],
        out_shape=[
            jax.ShapeDtypeStruct((_B, 1, 32), jnp.float32),
            jax.ShapeDtypeStruct((_B, 1, 32), jnp.int32),
        ],
    )(xp, cs, w_gate)

    gates = _sc_gate(df.reshape(_B * 32), di.reshape(_B * 32))
    return gates.reshape(_B, _NS)


def kernel(x, training, W_in, b_in, w_gate):
    return _run(x, W_in, w_gate)

# --- scband reference (transcript-rebuilt; emitter-appended) ---
"""Pipeline reference for scband-fourier-layer-32736240730605 (READ-ONLY COPY).

The authoritative reference and input builder live on the scoring server;
editing this copy changes nothing except your own understanding.
"""

import jax, jax.numpy as jnp
import numpy as np

SEQ_LEN = 2048
TOP_K = 2
D_MODEL = 1024
IN_CHANS = 1
H, W = 2, 2
B = 4
D_PROJ = 512
NUM_FREQS = SEQ_LEN // 2


def _segment_sizes(seq_len):
    freqs = np.fft.rfftfreq(seq_len)[1:]
    periods = 1.0 / freqs
    seg = np.unique((periods + 1e-05).astype(np.int64))[::-1]
    return seg


N_SEG = int(len(_segment_sizes(SEQ_LEN)))


def setup_inputs(seed: int = 0):
    key = jax.random.key(seed)
    k1, k2, k3, k4 = jax.random.split(key, 4)
    x = jax.random.normal(k1, (B, SEQ_LEN, IN_CHANS, H, W, D_MODEL), dtype=jnp.float32)
    W_in = jax.random.normal(k2, (IN_CHANS * D_MODEL, D_PROJ), dtype=jnp.float32) * 0.02
    b_in = jax.random.normal(k3, (D_PROJ,), dtype=jnp.float32) * 0.02
    w_gate = jax.random.normal(k4, (NUM_FREQS, N_SEG), dtype=jnp.float32) * 0.02
    return {"x": x, "training": 0, "W_in": W_in, "b_in": b_in, "w_gate": w_gate}


def reference(x, training, W_in, b_in, w_gate):
    Bb, T, C, Hh, Ww, D = x.shape
    # rearrange 'b t c h w d -> b t (h w) (c d)' then mean over (h w)
    xr = jnp.transpose(x, (0, 1, 3, 4, 2, 5)).reshape(Bb, T, Hh * Ww, C * D)
    xr = xr.mean(axis=-2)
    # in_proj
    xp = xr @ W_in + b_in
    # 'b t d -> b d t'
    xp = jnp.transpose(xp, (0, 2, 1))
    xf = jnp.fft.rfft(xp, axis=-1, norm='ortho')[:, :, 1:]
    amp = jnp.abs(xf)
    clean_logits = amp @ w_gate
    # training is falsy (eval path): logits = clean_logits
    logits = clean_logits
    weights = logits.mean(axis=1)
    top_weights, top_indices = jax.lax.top_k(weights, TOP_K)
    top_weights = jax.nn.softmax(top_weights, axis=-1)
    gates = jnp.zeros_like(weights).at[jnp.arange(Bb)[:, None], top_indices].set(top_weights)
    return gates

if __name__ == "__main__":
    import jax
    _d = setup_inputs()
    print(jax.jit(kernel)(*tuple(_d.values())))

</pallas_src>

<mosaic_0001>
#map = affine_map<(d0, d1) -> (0)>
module attributes {stable_mosaic.version = 14 : i64} {
  func.func @_sc_gate(%arg0: i32, %arg1: i32, %arg2: memref<128xf32, #tpu.memory_space<hbm>>, %arg3: memref<128xi32, #tpu.memory_space<hbm>>, %arg4: memref<352xf32, #tpu.memory_space<hbm>>, %arg5: memref<32xf32, #tpu.memory_space<vmem>>, %arg6: memref<32xi32, #tpu.memory_space<vmem>>, %arg7: memref<96xf32, #tpu.memory_space<vmem>>) attributes {dimension_semantics = [#tpu.dimension_semantics<core_parallel>, #tpu.dimension_semantics<subcore_parallel>], iteration_bounds = array<i64: 2, 16>, scalar_prefetch = 0 : i64, scratch_operands = 3 : i64, tpu.core_type = #tpu.core_type<sc_vector_subcore>, window_params = [{transform_indices = #map}, {transform_indices = #map}, {transform_indices = #map}]} {
    %mul3A = arith.constant 2 : i32
    %mul3A_0 = arith.muli %arg1, %mul3A : i32
    %add3A = arith.addi %mul3A_0, %arg0 : i32
    %lt3A = arith.constant 4 : i32
    %lt3A_1 = arith.cmpi slt, %add3A, %lt3A : i32
    %convert_element_type3A = arith.extui %lt3A_1 : i1 to i32
    %cond3A = arith.constant 0 : i32
    %cond3A_2 = arith.cmpi ne, %convert_element_type3A, %cond3A : i32
    scf.if %cond3A_2 {
      %iota3A = tpu.iota {dimensions = array<i32: 0>} : vector<16xi32>
      %broadcast_in_dim3A = arith.constant 0.000000e+00 : f32
      %broadcast_in_dim3A_3 = vector.broadcast %broadcast_in_dim3A : f32 to vector<16xf32>
      %mul3A_4 = arith.constant 32 : i32
      %mul3A_5 = arith.muli %add3A, %mul3A_4 : i32
      "tpu.region"() ({
        %run_scoped3A = tpu.sem_alloc : memref<!tpu.dma_semaphore, #tpu.memory_space<semaphore_mem>>
        %dma_start3A = tpu.memref_slice %arg2[%mul3A_5] : memref<128xf32, #tpu.memory_space<hbm>> -> memref<32xf32, #tpu.memory_space<hbm>>
        %dma_start3A_90 = tpu.memref_slice %arg2[%mul3A_5] : memref<128xf32, #tpu.memory_space<hbm>> -> memref<32xf32, #tpu.memory_space<hbm>>
        tpu.enqueue_dma source(%dma_start3A_90 : memref<32xf32, #tpu.memory_space<hbm>>) target(%arg5 : memref<32xf32, #tpu.memory_space<vmem>>) target_semaphore(%run_scoped3A : memref<!tpu.dma_semaphore, #tpu.memory_space<semaphore_mem>>)
        %dma_wait3A = tpu.memref_slice %arg2[%mul3A_5] : memref<128xf32, #tpu.memory_space<hbm>> -> memref<32xf32, #tpu.memory_space<hbm>>
        %dma_wait3A_91 = tpu.memref_slice %arg2[%mul3A_5] : memref<128xf32, #tpu.memory_space<hbm>> -> memref<32xf32, #tpu.memory_space<hbm>>
        tpu.wait_dma2 semaphore(%run_scoped3A : memref<!tpu.dma_semaphore, #tpu.memory_space<semaphore_mem>>) src(%dma_wait3A_91 : memref<32xf32, #tpu.memory_space<hbm>>) dst(%arg5 : memref<32xf32, #tpu.memory_space<vmem>>)
        tpu.yield
      }) : () -> ()
      %mul3A_6 = arith.constant 32 : i32
      %mul3A_7 = arith.muli %add3A, %mul3A_6 : i32
      "tpu.region"() ({
        %run_scoped3A = tpu.sem_alloc : memref<!tpu.dma_semaphore, #tpu.memory_space<semaphore_mem>>
        %dma_start3A = tpu.memref_slice %arg3[%mul3A_7] : memref<128xi32, #tpu.memory_space<hbm>> -> memref<32xi32, #tpu.memory_space<hbm>>
        %dma_start3A_90 = tpu.memref_slice %arg3[%mul3A_7] : memref<128xi32, #tpu.memory_space<hbm>> -> memref<32xi32, #tpu.memory_space<hbm>>
        tpu.enqueue_dma source(%dma_start3A_90 : memref<32xi32, #tpu.memory_space<hbm>>) target(%arg6 : memref<32xi32, #tpu.memory_space<vmem>>) target_semaphore(%run_scoped3A : memref<!tpu.dma_semaphore, #tpu.memory_space<semaphore_mem>>)
        %dma_wait3A = tpu.memref_slice %arg3[%mul3A_7] : memref<128xi32, #tpu.memory_space<hbm>> -> memref<32xi32, #tpu.memory_space<hbm>>
        %dma_wait3A_91 = tpu.memref_slice %arg3[%mul3A_7] : memref<128xi32, #tpu.memory_space<hbm>> -> memref<32xi32, #tpu.memory_space<hbm>>
        tpu.wait_dma2 semaphore(%run_scoped3A : memref<!tpu.dma_semaphore, #tpu.memory_space<semaphore_mem>>) src(%dma_wait3A_91 : memref<32xi32, #tpu.memory_space<hbm>>) dst(%arg6 : memref<32xi32, #tpu.memory_space<vmem>>)
        tpu.yield
      }) : () -> ()
      %get3A = arith.constant 0 : index
      %get3A_8 = tpu.vector_load %arg5[%get3A] {strides = array<i32>} : memref<32xf32, #tpu.memory_space<vmem>>, vector<16xf32>,
      %get3A_9 = vector.shape_cast %get3A_8 : vector<16xf32> to vector<16xf32>
      %get3A_10 = arith.constant 16 : index
      %get3A_11 = tpu.vector_load %arg5[%get3A_10] {strides = array<i32>} : memref<32xf32, #tpu.memory_space<vmem>>, vector<16xf32>,
      %get3A_12 = vector.shape_cast %get3A_11 : vector<16xf32> to vector<16xf32>
      %get3A_13 = arith.constant 0 : index
      %get3A_14 = tpu.vector_load %arg6[%get3A_13] {strides = array<i32>} : memref<32xi32, #tpu.memory_space<vmem>>, vector<16xi32>,
      %get3A_15 = vector.shape_cast %get3A_14 : vector<16xi32> to vector<16xi32>
      %get3A_16 = arith.constant 16 : index
      %get3A_17 = tpu.vector_load %arg6[%get3A_16] {strides = array<i32>} : memref<32xi32, #tpu.memory_space<vmem>>, vector<16xi32>,
      %get3A_18 = vector.shape_cast %get3A_17 : vector<16xi32> to vector<16xi32>
      %broadcast_in_dim3A_19 = arith.constant 0 : i32
      %broadcast_in_dim3A_20 = vector.broadcast %broadcast_in_dim3A_19 : i32 to vector<16xi32>
      %add3A_21 = arith.addi %iota3A, %broadcast_in_dim3A_20 : vector<16xi32>
      %eq3A = arith.cmpi eq, %add3A_21, %get3A_15 : vector<16xi32>
      %select_n3A = arith.select %eq3A, %get3A_9, %broadcast_in_dim3A_3 : vector<16xi1>, vector<16xf32>
      %eq3A_22 = arith.cmpi eq, %add3A_21, %get3A_18 : vector<16xi32>
      %select_n3A_23 = arith.select %eq3A_22, %get3A_12, %broadcast_in_dim3A_3 : vector<16xi1>, vector<16xf32>
      %add3A_24 = arith.addf %select_n3A, %select_n3A_23 : vector<16xf32>
      %swap3A = arith.constant 0 : index
      %swap3A_25 = tpu.vector_load %arg7[%swap3A] {strides = array<i32>} : memref<96xf32, #tpu.memory_space<vmem>>, vector<16xf32>,
      %swap3A_26 = vector.shape_cast %swap3A_25 : vector<16xf32> to vector<16xf32>
      %swap3A_27 = vector.shape_cast %add3A_24 : vector<16xf32> to vector<16xf32>
      tpu.vector_store %arg7[%swap3A], %swap3A_27 {strides = array<i32>} : memref<96xf32, #tpu.memory_space<vmem>>, vector<16xf32>,
      %broadcast_in_dim3A_28 = arith.constant 16 : i32
      %broadcast_in_dim3A_29 = vector.broadcast %broadcast_in_dim3A_28 : i32 to vector<16xi32>
      %add3A_30 = arith.addi %iota3A, %broadcast_in_dim3A_29 : vector<16xi32>
      %eq3A_31 = arith.cmpi eq, %add3A_30, %get3A_15 : vector<16xi32>
      %select_n3A_32 = arith.select %eq3A_31, %get3A_9, %broadcast_in_dim3A_3 : vector<16xi1>, vector<16xf32>
      %eq3A_33 = arith.cmpi eq, %add3A_30, %get3A_18 : vector<16xi32>
      %select_n3A_34 = arith.select %eq3A_33, %get3A_12, %broadcast_in_dim3A_3 : vector<16xi1>, vector<16xf32>
      %add3A_35 = arith.addf %select_n3A_32, %select_n3A_34 : vector<16xf32>
      %swap3A_36 = arith.constant 16 : index
      %swap3A_37 = tpu.vector_load %arg7[%swap3A_36] {strides = array<i32>} : memref<96xf32, #tpu.memory_space<vmem>>, vector<16xf32>,
      %swap3A_38 = vector.shape_cast %swap3A_37 : vector<16xf32> to vector<16xf32>
      %swap3A_39 = vector.shape_cast %add3A_35 : vector<16xf32> to vector<16xf32>
      tpu.vector_store %arg7[%swap3A_36], %swap3A_39 {strides = array<i32>} : memref<96xf32, #tpu.memory_space<vmem>>, vector<16xf32>,
      %broadcast_in_dim3A_40 = arith.constant 32 : i32
      %broadcast_in_dim3A_41 = vector.broadcast %broadcast_in_dim3A_40 : i32 to vector<16xi32>
      %add3A_42 = arith.addi %iota3A, %broadcast_in_dim3A_41 : vector<16xi32>
      %eq3A_43 = arith.cmpi eq, %add3A_42, %get3A_15 : vector<16xi32>
      %select_n3A_44 = arith.select %eq3A_43, %get3A_9, %broadcast_in_dim3A_3 : vector<16xi1>, vector<16xf32>
      %eq3A_45 = arith.cmpi eq, %add3A_42, %get3A_18 : vector<16xi32>
      %select_n3A_46 = arith.select %eq3A_45, %get3A_12, %broadcast_in_dim3A_3 : vector<16xi1>, vector<16xf32>
      %add3A_47 = arith.addf %select_n3A_44, %select_n3A_46 : vector<16xf32>
      %swap3A_48 = arith.constant 32 : index
      %swap3A_49 = tpu.vector_load %arg7[%swap3A_48] {strides = array<i32>} : memref<96xf32, #tpu.memory_space<vmem>>, vector<16xf32>,
      %swap3A_50 = vector.shape_cast %swap3A_49 : vector<16xf32> to vector<16xf32>
      %swap3A_51 = vector.shape_cast %add3A_47 : vector<16xf32> to vector<16xf32>
      tpu.vector_store %arg7[%swap3A_48], %swap3A_51 {strides = array<i32>} : memref<96xf32, #tpu.memory_space<vmem>>, vector<16xf32>,
      %broadcast_in_dim3A_52 = arith.constant 48 : i32
      %broadcast_in_dim3A_53 = vector.broadcast %broadcast_in_dim3A_52 : i32 to vector<16xi32>
      %add3A_54 = arith.addi %iota3A, %broadcast_in_dim3A_53 : vector<16xi32>
      %eq3A_55 = arith.cmpi eq, %add3A_54, %get3A_15 : vector<16xi32>
      %select_n3A_56 = arith.select %eq3A_55, %get3A_9, %broadcast_in_dim3A_3 : vector<16xi1>, vector<16xf32>
      %eq3A_57 = arith.cmpi eq, %add3A_54, %get3A_18 : vector<16xi32>
      %select_n3A_58 = arith.select %eq3A_57, %get3A_12, %broadcast_in_dim3A_3 : vector<16xi1>, vector<16xf32>
      %add3A_59 = arith.addf %select_n3A_56, %select_n3A_58 : vector<16xf32>
      %swap3A_60 = arith.constant 48 : index
      %swap3A_61 = tpu.vector_load %arg7[%swap3A_60] {strides = array<i32>} : memref<96xf32, #tpu.memory_space<vmem>>, vector<16xf32>,
      %swap3A_62 = vector.shape_cast %swap3A_61 : vector<16xf32> to vector<16xf32>
      %swap3A_63 = vector.shape_cast %add3A_59 : vector<16xf32> to vector<16xf32>
      tpu.vector_store %arg7[%swap3A_60], %swap3A_63 {strides = array<i32>} : memref<96xf32, #tpu.memory_space<vmem>>, vector<16xf32>,
      %broadcast_in_dim3A_64 = arith.constant 64 : i32
      %broadcast_in_dim3A_65 = vector.broadcast %broadcast_in_dim3A_64 : i32 to vector<16xi32>
      %add3A_66 = arith.addi %iota3A, %broadcast_in_dim3A_65 : vector<16xi32>
      %eq3A_67 = arith.cmpi eq, %add3A_66, %get3A_15 : vector<16xi32>
      %select_n3A_68 = arith.select %eq3A_67, %get3A_9, %broadcast_in_dim3A_3 : vector<16xi1>, vector<16xf32>
      %eq3A_69 = arith.cmpi eq, %add3A_66, %get3A_18 : vector<16xi32>
      %select_n3A_70 = arith.select %eq3A_69, %get3A_12, %broadcast_in_dim3A_3 : vector<16xi1>, vector<16xf32>
      %add3A_71 = arith.addf %select_n3A_68, %select_n3A_70 : vector<16xf32>
      %swap3A_72 = arith.constant 64 : index
      %swap3A_73 = tpu.vector_load %arg7[%swap3A_72] {strides = array<i32>} : memref<96xf32, #tpu.memory_space<vmem>>, vector<16xf32>,
      %swap3A_74 = vector.shape_cast %swap3A_73 : vector<16xf32> to vector<16xf32>
      %swap3A_75 = vector.shape_cast %add3A_71 : vector<16xf32> to vector<16xf32>
      tpu.vector_store %arg7[%swap3A_72], %swap3A_75 {strides = array<i32>} : memref<96xf32, #tpu.memory_space<vmem>>, vector<16xf32>,
      %broadcast_in_dim3A_76 = arith.constant 80 : i32
      %broadcast_in_dim3A_77 = vector.broadcast %broadcast_in_dim3A_76 : i32 to vector<16xi32>
      %add3A_78 = arith.addi %iota3A, %broadcast_in_dim3A_77 : vector<16xi32>
      %eq3A_79 = arith.cmpi eq, %add3A_78, %get3A_15 : vector<16xi32>
      %select_n3A_80 = arith.select %eq3A_79, %get3A_9, %broadcast_in_dim3A_3 : vector<16xi1>, vector<16xf32>
      %eq3A_81 = arith.cmpi eq, %add3A_78, %get3A_18 : vector<16xi32>
      %select_n3A_82 = arith.select %eq3A_81, %get3A_12, %broadcast_in_dim3A_3 : vector<16xi1>, vector<16xf32>
      %add3A_83 = arith.addf %select_n3A_80, %select_n3A_82 : vector<16xf32>
      %swap3A_84 = arith.constant 80 : index
      %swap3A_85 = tpu.vector_load %arg7[%swap3A_84] {strides = array<i32>} : memref<96xf32, #tpu.memory_space<vmem>>, vector<16xf32>,
      %swap3A_86 = vector.shape_cast %swap3A_85 : vector<16xf32> to vector<16xf32>
      %swap3A_87 = vector.shape_cast %add3A_83 : vector<16xf32> to vector<16xf32>
      tpu.vector_store %arg7[%swap3A_84], %swap3A_87 {strides = array<i32>} : memref<96xf32, #tpu.memory_space<vmem>>, vector<16xf32>,
      %mul3A_88 = arith.constant 88 : i32
      %mul3A_89 = arith.muli %add3A, %mul3A_88 : i32
      "tpu.region"() ({
        %run_scoped3A = tpu.sem_alloc : memref<!tpu.dma_semaphore, #tpu.memory_space<semaphore_mem>>
        %dma_start3A = arith.constant 0 : i32
        %dma_start3A_90 = tpu.memref_slice %arg7[%dma_start3A] : memref<96xf32, #tpu.memory_space<vmem>> -> memref<88xf32, #tpu.memory_space<vmem>>
        %dma_start3A_91 = tpu.memref_slice %arg4[%mul3A_89] : memref<352xf32, #tpu.memory_space<hbm>> -> memref<88xf32, #tpu.memory_space<hbm>>
        %dma_start3A_92 = tpu.memref_slice %arg4[%mul3A_89] : memref<352xf32, #tpu.memory_space<hbm>> -> memref<88xf32, #tpu.memory_space<hbm>>
        %dma_start3A_93 = arith.constant 0 : i32
        %dma_start3A_94 = tpu.memref_slice %arg7[%dma_start3A_93] : memref<96xf32, #tpu.memory_space<vmem>> -> memref<88xf32, #tpu.memory_space<vmem>>
        tpu.enqueue_dma source(%dma_start3A_94 : memref<88xf32, #tpu.memory_space<vmem>>) target(%dma_start3A_92 : memref<88xf32, #tpu.memory_space<hbm>>) target_semaphore(%run_scoped3A : memref<!tpu.dma_semaphore, #tpu.memory_space<semaphore_mem>>)
        %dma_wait3A = arith.constant 0 : i32
        %dma_wait3A_95 = tpu.memref_slice %arg7[%dma_wait3A] : memref<96xf32, #tpu.memory_space<vmem>> -> memref<88xf32, #tpu.memory_space<vmem>>
        %dma_wait3A_96 = tpu.memref_slice %arg4[%mul3A_89] : memref<352xf32, #tpu.memory_space<hbm>> -> memref<88xf32, #tpu.memory_space<hbm>>
        %dma_wait3A_97 = tpu.memref_slice %arg4[%mul3A_89] : memref<352xf32, #tpu.memory_space<hbm>> -> memref<88xf32, #tpu.memory_space<hbm>>
        %dma_wait3A_98 = arith.constant 0 : i32
        %dma_wait3A_99 = tpu.memref_slice %arg7[%dma_wait3A_98] : memref<96xf32, #tpu.memory_space<vmem>> -> memref<88xf32, #tpu.memory_space<vmem>>
        tpu.wait_dma2 semaphore(%run_scoped3A : memref<!tpu.dma_semaphore, #tpu.memory_space<semaphore_mem>>) src(%dma_wait3A_99 : memref<88xf32, #tpu.memory_space<vmem>>) dst(%dma_wait3A_97 : memref<88xf32, #tpu.memory_space<hbm>>)
        tpu.yield
      }) : () -> ()
    } else {
    }
    return
  }
}

module attributes {stable_mosaic.version = 14 : i64} {
  func.func @_proj_body(%arg0: i32, %arg1: i32, %arg2: memref<1x512x1x2x2x1024xf32, #tpu.memory_space<vmem>>, %arg3: memref<4096x512xbf16, #tpu.memory_space<vmem>>, %arg4: memref<1x512x512xbf16, #tpu.memory_space<vmem>>) attributes {dimension_semantics = [#tpu.dimension_semantics<arbitrary>, #tpu.dimension_semantics<arbitrary>], iteration_bounds = array<i64: 4, 4>, scalar_prefetch = 0 : i64, scratch_operands = 0 : i64, tpu.core_type = #tpu.core_type<tc>, window_params = [{transform_indices = @transform_0, window_bounds = array<i64: 1, 512, 1, 2, 2, 1024>}, {pipeline_mode = #tpu.pipeline_mode<synchronous>, transform_indices = @transform_1, window_bounds = array<i64: 4096, 512>}, {transform_indices = @transform_2, window_bounds = array<i64: 1, 512, 512>}]} {
    %get3A = arith.constant 0 : index
    %get3A_0 = arith.constant 0 : index
    %get3A_1 = arith.constant 0 : index
    %get3A_2 = arith.constant 0 : index
    %get3A_3 = arith.constant 0 : index
    %get3A_4 = arith.constant 0 : index
    %get3A_5 = vector.load %arg2[%get3A, %get3A_0, %get3A_1, %get3A_2, %get3A_3, %get3A_4] : memref<1x512x1x2x2x1024xf32, #tpu.memory_space<vmem>>, vector<1x512x1x2x2x1024xf32>
    %get3A_6 = vector.shape_cast %get3A_5 : vector<1x512x1x2x2x1024xf32> to vector<512x1x2x2x1024xf32>
    %reshape3A = vector.shape_cast %get3A_6 : vector<512x1x2x2x1024xf32> to vector<512x4096xf32>
    %convert_element_type3A = arith.truncf %reshape3A : vector<512x4096xf32> to vector<512x4096xbf16>
    %get3A_7 = arith.constant 0 : index
    %get3A_8 = arith.constant 0 : index
    %get3A_9 = vector.load %arg3[%get3A_7, %get3A_8] : memref<4096x512xbf16, #tpu.memory_space<vmem>>, vector<4096x512xbf16>
    %dot_general3A = arith.constant dense<0.000000e+00> : vector<512x512xf32>
    %dot_general3A_10 = tpu.matmul %convert_element_type3A, %get3A_9, %dot_general3A {dimension_numbers = #tpu.dot_dimension_numbers<[1], [0], [0], [1], [0, 0, 1, 1], [], []>, transpose_lhs_hint = false} : vector<512x4096xbf16>, vector<4096x512xbf16>, vector<512x512xf32> -> vector<512x512xf32>
    %convert_element_type3A_11 = arith.truncf %dot_general3A_10 : vector<512x512xf32> to vector<512x512xbf16>
    %swap3A = arith.constant 0 : index
    %swap3A_12 = arith.constant 0 : index
    %swap3A_13 = arith.constant 0 : index
    %swap3A_14 = vector.load %arg4[%swap3A, %swap3A_12, %swap3A_13] : memref<1x512x512xbf16, #tpu.memory_space<vmem>>, vector<1x512x512xbf16>
    %swap3A_15 = vector.shape_cast %swap3A_14 : vector<1x512x512xbf16> to vector<512x512xbf16>
    %swap3A_16 = vector.shape_cast %convert_element_type3A_11 : vector<512x512xbf16> to vector<1x512x512xbf16>
    tpu.vector_store %arg4[%swap3A, %swap3A_12, %swap3A_13], %swap3A_16 {strides = array<i32>} : memref<1x512x512xbf16, #tpu.memory_space<vmem>>, vector<1x512x512xbf16>,
    return
  }
  func.func @transform_0(%arg0: i32, %arg1: i32) -> (i32, i32, i32, i32, i32, i32) {
    %c0_i32 = arith.constant 0 : i32
    %c0_i32_0 = arith.constant 0 : i32
    %c0_i32_1 = arith.constant 0 : i32
    %c0_i32_2 = arith.constant 0 : i32
    %c0_i32_3 = arith.constant 0 : i32
    return %arg0, %arg1, %c0_i32, %c0_i32_0, %c0_i32_1, %c0_i32_2 : i32, i32, i32, i32, i32, i32
  }
  func.func @transform_1(%arg0: i32, %arg1: i32) -> (i32, i32) {
    %c0_i32 = arith.constant 0 : i32
    %c0_i32_0 = arith.constant 0 : i32
    %c0_i32_1 = arith.constant 0 : i32
    return %c0_i32, %c0_i32_0 : i32, i32
  }
  func.func @transform_2(%arg0: i32, %arg1: i32) -> (i32, i32, i32) {
    %c0_i32 = arith.constant 0 : i32
    %c0_i32_0 = arith.constant 0 : i32
    return %arg0, %arg1, %c0_i32 : i32, i32, i32
  }
}

module attributes {stable_mosaic.version = 14 : i64} {
  func.func @_dft_top2_body(%arg0: i32, %arg1: memref<1x2048x512xbf16, #tpu.memory_space<vmem>>, %arg2: memref<2048x2048xbf16, #tpu.memory_space<vmem>>, %arg3: memref<1024x88xf32, #tpu.memory_space<vmem>>, %arg4: memref<1x1x32xf32, #tpu.memory_space<vmem>>, %arg5: memref<1x1x32xi32, #tpu.memory_space<vmem>>) attributes {dimension_semantics = [#tpu.dimension_semantics<arbitrary>], iteration_bounds = array<i64: 4>, scalar_prefetch = 0 : i64, scratch_operands = 0 : i64, tpu.core_type = #tpu.core_type<tc>, window_params = [{transform_indices = @transform_0, window_bounds = array<i64: 1, 2048, 512>}, {pipeline_mode = #tpu.pipeline_mode<synchronous>, transform_indices = @transform_1, window_bounds = array<i64: 2048, 2048>}, {pipeline_mode = #tpu.pipeline_mode<synchronous>, transform_indices = @transform_2, window_bounds = array<i64: 1024, 88>}, {transform_indices = @transform_3, window_bounds = array<i64: 1, 1, 32>}, {transform_indices = @transform_4, window_bounds = array<i64: 1, 1, 32>}]} {
    %get3A = arith.constant 0 : index
    %get3A_0 = arith.constant 0 : index
    %get3A_1 = vector.load %arg2[%get3A, %get3A_0] : memref<2048x2048xbf16, #tpu.memory_space<vmem>>, vector<2048x2048xbf16>
    %get3A_2 = arith.constant 0 : index
    %get3A_3 = arith.constant 0 : index
    %get3A_4 = arith.constant 0 : index
    %get3A_5 = vector.load %arg1[%get3A_2, %get3A_3, %get3A_4] : memref<1x2048x512xbf16, #tpu.memory_space<vmem>>, vector<1x2048x512xbf16>
    %get3A_6 = vector.shape_cast %get3A_5 : vector<1x2048x512xbf16> to vector<2048x512xbf16>
    %dot_general3A = arith.constant dense<0.000000e+00> : vector<2048x512xf32>
    %dot_general3A_7 = tpu.matmul %get3A_1, %get3A_6, %dot_general3A {dimension_numbers = #tpu.dot_dimension_numbers<[1], [0], [0], [1], [0, 0, 1, 1], [], []>, transpose_lhs_hint = false} : vector<2048x2048xbf16>, vector<2048x512xbf16>, vector<2048x512xf32> -> vector<2048x512xf32>
    %slice3A = vector.extract_strided_slice %dot_general3A_7 {offsets = [0, 0], sizes = [1024, 512], strides = [1, 1]} : vector<2048x512xf32> to vector<1024x512xf32>
    %slice3A_8 = vector.extract_strided_slice %dot_general3A_7 {offsets = [1024, 0], sizes = [1024, 512], strides = [1, 1]} : vector<2048x512xf32> to vector<1024x512xf32>
    %mul3A = arith.mulf %slice3A, %slice3A : vector<1024x512xf32>
    %mul3A_9 = arith.mulf %slice3A_8, %slice3A_8 : vector<1024x512xf32>
    %add3A = arith.addf %mul3A, %mul3A_9 : vector<1024x512xf32>
    %sqrt3A = math.sqrt %add3A : vector<1024x512xf32>
    %reduce_sum3A = arith.constant dense<0.000000e+00> : vector<1024xf32>
    %reduce_sum3A_10 = vector.multi_reduction <add>, %sqrt3A, %reduce_sum3A [1] : vector<1024x512xf32> to vector<1024xf32>
    %broadcast_in_dim3A = vector.shape_cast %reduce_sum3A_10 : vector<1024xf32> to vector<1024x1xf32>
    %mul3A_11 = arith.constant 0.001953125 : f32
    %mul3A_12 = vector.broadcast %mul3A_11 : f32 to vector<1024x1xf32>
    %mul3A_13 = arith.mulf %broadcast_in_dim3A, %mul3A_12 : vector<1024x1xf32>
    %get3A_14 = arith.constant 0 : index
    %get3A_15 = arith.constant 0 : index
    %get3A_16 = vector.load %arg3[%get3A_14, %get3A_15] : memref<1024x88xf32, #tpu.memory_space<vmem>>, vector<1024x88xf32>
    %dot_general3A_17 = arith.constant dense<0.000000e+00> : vector<1x88xf32>
    %dot_general3A_18 = tpu.matmul %mul3A_13, %get3A_16, %dot_general3A_17 {dimension_numbers = #tpu.dot_dimension_numbers<[0], [0], [1], [1], [0, 1, 1, 1], [], []>, transpose_lhs_hint = false} : vector<1024x1xf32>, vector<1024x88xf32>, vector<1x88xf32> -> vector<1x88xf32>
    %iota3A = tpu.iota {dimensions = array<i32: 1>} : vector<1x88xi32>
    %reduce_max3A = arith.constant dense<0xFF800000> : vector<1xf32>
    %reduce_max3A_19 = vector.multi_reduction <maximumf>, %dot_general3A_18, %reduce_max3A [1] : vector<1x88xf32> to vector<1xf32>
    %broadcast_in_dim3A_20 = vector.shape_cast %reduce_max3A_19 : vector<1xf32> to vector<1x1xf32>
    %eq3A = vector.broadcast %broadcast_in_dim3A_20 : vector<1x1xf32> to vector<1x88xf32>
    %eq3A_21 = arith.cmpf oeq, %dot_general3A_18, %eq3A : vector<1x88xf32>
    %jit3A = arith.constant 1000000000 : i32
    %broadcast_in_dim3A_22 = vector.broadcast %jit3A : i32 to vector<1x88xi32>
    %select_n3A = arith.select %eq3A_21, %iota3A, %broadcast_in_dim3A_22 : vector<1x88xi1>, vector<1x88xi32>
    %reduce_min3A = arith.constant dense<2147483647> : vector<1xi32>
    %reduce_min3A_23 = vector.multi_reduction <minsi>, %select_n3A, %reduce_min3A [1] : vector<1x88xi32> to vector<1xi32>
    %broadcast_in_dim3A_24 = vector.shape_cast %reduce_min3A_23 : vector<1xi32> to vector<1x1xi32>
    %eq3A_25 = vector.broadcast %broadcast_in_dim3A_24 : vector<1x1xi32> to vector<1x88xi32>
    %eq3A_26 = arith.cmpi eq, %iota3A, %eq3A_25 : vector<1x88xi32>
    %jit3A_27 = arith.constant 0xFF800000 : f32
    %broadcast_in_dim3A_28 = vector.broadcast %jit3A_27 : f32 to vector<1x88xf32>
    %select_n3A_29 = arith.select %eq3A_26, %broadcast_in_dim3A_28, %dot_general3A_18 : vector<1x88xi1>, vector<1x88xf32>
    %reduce_max3A_30 = arith.constant dense<0xFF800000> : vector<1xf32>
    %reduce_max3A_31 = vector.multi_reduction <maximumf>, %select_n3A_29, %reduce_max3A_30 [1] : vector<1x88xf32> to vector<1xf32>
    %broadcast_in_dim3A_32 = vector.shape_cast %reduce_max3A_31 : vector<1xf32> to vector<1x1xf32>
    %eq3A_33 = vector.broadcast %broadcast_in_dim3A_32 : vector<1x1xf32> to vector<1x88xf32>
    %eq3A_34 = arith.cmpf oeq, %select_n3A_29, %eq3A_33 : vector<1x88xf32>
    %jit3A_35 = arith.constant 1000000000 : i32
    %broadcast_in_dim3A_36 = vector.broadcast %jit3A_35 : i32 to vector<1x88xi32>
    %select_n3A_37 = arith.select %eq3A_34, %iota3A, %broadcast_in_dim3A_36 : vector<1x88xi1>, vector<1x88xi32>
    %reduce_min3A_38 = arith.constant dense<2147483647> : vector<1xi32>
    %reduce_min3A_39 = vector.multi_reduction <minsi>, %select_n3A_37, %reduce_min3A_38 [1] : vector<1x88xi32> to vector<1xi32>
    %broadcast_in_dim3A_40 = vector.shape_cast %reduce_min3A_39 : vector<1xi32> to vector<1x1xi32>
    %sub3A = arith.subf %broadcast_in_dim3A_32, %broadcast_in_dim3A_20 : vector<1x1xf32>
    %exp3A = math.exp %sub3A : vector<1x1xf32>
    %add3A_41 = arith.constant 1.000000e+00 : f32
    %add3A_42 = vector.broadcast %add3A_41 : f32 to vector<1x1xf32>
    %add3A_43 = arith.addf %add3A_42, %exp3A : vector<1x1xf32>
    %div3A = arith.constant 1.000000e+00 : f32
    %div3A_44 = vector.broadcast %div3A : f32 to vector<1x1xf32>
    %div3A_45 = arith.divf %div3A_44, %add3A_43 : vector<1x1xf32>
    %mul3A_46 = arith.mulf %exp3A, %div3A_45 : vector<1x1xf32>
    %iota3A_47 = tpu.iota {dimensions = array<i32: 1>} : vector<1x32xi32>
    %lt3A = arith.constant 16 : i32
    %lt3A_48 = vector.broadcast %lt3A : i32 to vector<1x32xi32>
    %lt3A_49 = arith.cmpi slt, %iota3A_47, %lt3A_48 : vector<1x32xi32>
    %broadcast_in_dim3A_50 = vector.shape_cast %div3A_45 : vector<1x1xf32> to vector<1x1xf32>
    %broadcast_in_dim3A_51 = vector.broadcast %broadcast_in_dim3A_50 : vector<1x1xf32> to vector<1x32xf32>
    %broadcast_in_dim3A_52 = vector.shape_cast %mul3A_46 : vector<1x1xf32> to vector<1x1xf32>
    %broadcast_in_dim3A_53 = vector.broadcast %broadcast_in_dim3A_52 : vector<1x1xf32> to vector<1x32xf32>
    %select_n3A_54 = arith.select %lt3A_49, %broadcast_in_dim3A_51, %broadcast_in_dim3A_53 : vector<1x32xi1>, vector<1x32xf32>
    %swap3A = arith.constant 0 : index
    %swap3A_55 = arith.constant 0 : index
    %swap3A_56 = arith.constant 0 : index
    %swap3A_57 = vector.load %arg4[%swap3A, %swap3A_55, %swap3A_56] : memref<1x1x32xf32, #tpu.memory_space<vmem>>, vector<1x1x32xf32>
    %swap3A_58 = vector.shape_cast %swap3A_57 : vector<1x1x32xf32> to vector<1x32xf32>
    %swap3A_59 = vector.shape_cast %select_n3A_54 : vector<1x32xf32> to vector<1x1x32xf32>
    tpu.vector_store %arg4[%swap3A, %swap3A_55, %swap3A_56], %swap3A_59 {strides = array<i32>} : memref<1x1x32xf32, #tpu.memory_space<vmem>>, vector<1x1x32xf32>,
    %lt3A_60 = arith.constant 16 : i32
    %lt3A_61 = vector.broadcast %lt3A_60 : i32 to vector<1x32xi32>
    %lt3A_62 = arith.cmpi slt, %iota3A_47, %lt3A_61 : vector<1x32xi32>
    %broadcast_in_dim3A_63 = vector.shape_cast %broadcast_in_dim3A_24 : vector<1x1xi32> to vector<1x1xi32>
    %broadcast_in_dim3A_64 = vector.broadcast %broadcast_in_dim3A_63 : vector<1x1xi32> to vector<1x32xi32>
    %broadcast_in_dim3A_65 = vector.shape_cast %broadcast_in_dim3A_40 : vector<1x1xi32> to vector<1x1xi32>
    %broadcast_in_dim3A_66 = vector.broadcast %broadcast_in_dim3A_65 : vector<1x1xi32> to vector<1x32xi32>
    %select_n3A_67 = arith.select %lt3A_62, %broadcast_in_dim3A_64, %broadcast_in_dim3A_66 : vector<1x32xi1>, vector<1x32xi32>
    %swap3A_68 = arith.constant 0 : index
    %swap3A_69 = arith.constant 0 : index
    %swap3A_70 = arith.constant 0 : index
    %swap3A_71 = vector.load %arg5[%swap3A_68, %swap3A_69, %swap3A_70] : memref<1x1x32xi32, #tpu.memory_space<vmem>>, vector<1x1x32xi32>
    %swap3A_72 = vector.shape_cast %swap3A_71 : vector<1x1x32xi32> to vector<1x32xi32>
    %swap3A_73 = vector.shape_cast %select_n3A_67 : vector<1x32xi32> to vector<1x1x32xi32>
    tpu.vector_store %arg5[%swap3A_68, %swap3A_69, %swap3A_70], %swap3A_73 {strides = array<i32>} : memref<1x1x32xi32, #tpu.memory_space<vmem>>, vector<1x1x32xi32>,
    return
  }
  func.func @transform_0(%arg0: i32) -> (i32, i32, i32) {
    %c0_i32 = arith.constant 0 : i32
    %c0_i32_0 = arith.constant 0 : i32
    %c0_i32_1 = arith.constant 0 : i32
    return %arg0, %c0_i32, %c0_i32_0 : i32, i32, i32
  }
  func.func @transform_1(%arg0: i32) -> (i32, i32) {
    %c0_i32 = arith.constant 0 : i32
    %c0_i32_0 = arith.constant 0 : i32
    %c0_i32_1 = arith.constant 0 : i32
    return %c0_i32, %c0_i32_0 : i32, i32
  }
  func.func @transform_2(%arg0: i32) -> (i32, i32) {
    %c0_i32 = arith.constant 0 : i32
    %c0_i32_0 = arith.constant 0 : i32
    %c0_i32_1 = arith.constant 0 : i32
    return %c0_i32, %c0_i32_0 : i32, i32
  }
  func.func @transform_3(%arg0: i32) -> (i32, i32, i32) {
    %c0_i32 = arith.constant 0 : i32
    %c0_i32_0 = arith.constant 0 : i32
    %c0_i32_1 = arith.constant 0 : i32
    return %arg0, %c0_i32, %c0_i32_0 : i32, i32, i32
  }
  func.func @transform_4(%arg0: i32) -> (i32, i32, i32) {
    %c0_i32 = arith.constant 0 : i32
    %c0_i32_0 = arith.constant 0 : i32
    %c0_i32_1 = arith.constant 0 : i32
    return %arg0, %c0_i32, %c0_i32_0 : i32, i32, i32
  }
}

</mosaic_0001>

<sc_bundles>
// kernel: _run.5.cloned.1.call-start
scs
__scs_entry_jumppad:
0x0: {  	(pc) =	sbr.rel $0x88, $3  }
0x1: {  	(tag) =	ssettag $0x0;
	lr =	simm.s32 $0x1  }
0x2: {  	[smem:$0x3F9E] =	sst lr;
	_ =	strace $0xD0000000  }
0x3: {  	_ = 	snop  }
0x4: {  	_ = 	snop  }
0x5: {  	_ = 	snop  }
0x6: {  	_ = 	snop  }
0x7: {  	_ = 	snop  }
__scs_overlays_trampoline_lowered:
0x8: {  	[smem:$0x3FAD] =	sst s0  }
0x9: {  	[smem:$0x3FAE] =	sst s1  }
0xa: {  	[smem:$0x3FAF] =	sst s2  }
0xb: {  	[smem:$0x3FB0] =	sst s3  }
0xc: {  	[smem:$0x3FB1] =	sst s4  }
0xd: {  	[smem:$0x3FB2] =	sst s5  }
0xe: {  	[smem:$0x3FB3] =	sst s6  }
0xf: {  	[smem:$0x3FB4] =	sst s7  }
0x10: {  	[smem:$0x3FB5] =	sst s8  }
0x11: {  	[smem:$0x3FB6] =	sst s9;
	s0 =	simm.s32 @!p0 $0x0  }
0x12: {  	s1 =	sld [smem:$0x3F9C];
	s0 =	simm.s32 @p0 $0x1  }
0x13: {  	[smem:$0x3FB7] =	sst s0;
	s0 =	simm.s32 @!p1 $0x0  }
0x14: {  	s2 =	sld [smem:$0x3F9B];
	s0 =	simm.s32 @p1 $0x1  }
0x15: {  	[smem:$0x3FB8] =	sst s0;
	s0 =	simm.s32 @!p2 $0x0  }
0x16: {  	s3 =	sld [smem:$0x3FDB];
	s0 =	simm.s32 @p2 $0x1  }
0x17: {  	s4 =	simm.s32 $0x1BF5;
	[smem:$0x3FBA] =	sst s0  }
0x18: {  	s0 =	sld [smem:$0x3F9D];
	_ =	swait.ge [sflag:s4], $0x0  }
0x19: {  	s7 =	sld [smem:$0x3F9E]  }
0x1a: {  	s8 =	sadd.s32 $0xFFFFE003, lr  }
0x1b: {  	s9 =	sadd.s32 $0xFFFFFEF7, lr;
	s5 =	simm.s32 $0xFFFFFFFF;
	p2 =	slt.u32 s8, $0xFFFFF086  }
0x1c: {  	p1 =	slt.u32 s9, $0xF7A;
	s5 =	simm.s32 @!p2 $0x0  }
0x1d: {  	s5 =	simm.s32 @p1 $0x1;
	p0 =	seq.s32 s7, s2  }
0x1e: {  	s7 =	smul.u32 @!p0 $0xF7A, s2;
	p2 =	seq.s32 @!p0 s5, $0x0  }
0x1f: {  	s9 =	smul.u32 $0xF7A, s1;
	s8 =	simm.s32 @!p0 $0x1BF5;
	p2 =	por !p2, p0  }
0x20: {  	[sflag:s8] =	ssyncset.s32 @!p0 $0xFFFFF086;
	s6 =	sadd.s32 @!p0 s3, s7;
	s7 =	simm.s32 @!p0 $0x108  }
0x21: {  	s3 =	sadd.s32 s3, s9;
	s6 =	sadd.s32 @!p0 $0x88, s6;
	s7 =	simm.s32 @p2 $0x1082  }
0x22: {  	[simem:s7], [sflag:s8] =	dma.local @!p0 [hbm:s6], $0xF7A  }
0x23: {  	s9 =	sor.u32 $0xD0000000, s2;
	s6 =	simm.s32 $0x108;
	_ =	swait.ge @!p0 [sflag:s8], $0x0  }
0x24: {  	s3 =	sadd.s32 $0x88, s3;
	s6 =	simm.s32 @!p1 $0x1082;
	[sflag:s4] =	ssyncset.s32 $0xFFFFF086  }
0x25: {  	[simem:s6], [sflag:s4] =	dma.local [hbm:s3], $0xF7A  }
0x26: {  	[smem:$0x3F9E] =	sst s1;
	(tag) =	ssettag s2;
	_ =	strace s9  }
0x27: {  	s1 =	sld [smem:$0x3FAE]  }
0x28: {  	s2 =	sld [smem:$0x3FAF]  }
0x29: {  	s4 =	sld [smem:$0x3FB1]  }
0x2a: {  	p0 =	seq.s32 s5, $0x0;
	s5 =	sld [smem:$0x3FB2]  }
0x2b: {  	s6 =	sld [smem:$0x3FB3]  }
0x2c: {  	s7 =	sld [smem:$0x3FB4]  }
0x2d: {  	s3 =	simm.s32 $0x108;
	s8 =	sld [smem:$0x3FB5]  }
0x2e: {  	s3 =	simm.s32 @!p0 $0x1082;
	s9 =	sld [smem:$0x3FB6]  }
0x2f: {  	lr =	sadd.s32 s0, s3;
	s0 =	sld [smem:$0x3FAD]  }
0x30: {  	s3 =	sld [smem:$0x3FB0]  }
0x31: {  	[smem:$0x3FB9] =	sst s10  }
0x32: {  	s10 =	sld [smem:$0x3FB7];
	_ =	sdelay $0x3  }
0x33: {  	p0 =	seq.s32 s10, $0x1;
	s10 =	sld [smem:$0x3FB9];
	_ =	sdelay $0x3  }
0x34: {  	[smem:$0x3FB9] =	sst s10  }
0x35: {  	s10 =	sld [smem:$0x3FB8];
	_ =	sdelay $0x3  }
0x36: {  	p1 =	seq.s32 s10, $0x1;
	s10 =	sld [smem:$0x3FB9];
	_ =	sdelay $0x3  }
0x37: {  	[smem:$0x3FB9] =	sst s10  }
0x38: {  	s10 =	sld [smem:$0x3FBA]  }
0x39: {  	_ = 	snop;
	(pc) =	sbr.ind lr, $3  }
0x3a: {  	_ = 	snop  }
0x3b: {  	_ = 	snop  }
0x3c: {  	p2 =	seq.s32 s10, $0x1;
	s10 =	sld [smem:$0x3FB9]  }
0x3d: {  	_ =	shalt  }
0x3e: {  	_ =	shalt  }
0x3f: {  	_ =	shalt  }
0x40: {  	_ =	shalt  }
0x41: {  	_ =	shalt  }
0x42: {  	_ =	shalt  }
0x43: {  	_ =	shalt  }
0x44: {  	_ =	shalt  }
0x45: {  	_ =	shalt  }
0x46: {  	_ =	shalt  }
0x47: {  	_ =	shalt  }
0x48: {  	_ =	shalt  }
0x49: {  	_ =	shalt  }
0x4a: {  	_ =	shalt  }
0x4b: {  	_ =	shalt  }
0x4c: {  	_ =	shalt  }
0x4d: {  	_ =	shalt  }
0x4e: {  	_ =	shalt  }
0x4f: {  	_ =	shalt  }
0x50: {  	_ =	shalt  }
0x51: {  	_ =	shalt  }
0x52: {  	_ =	shalt  }
0x53: {  	_ =	shalt  }
0x54: {  	_ =	shalt  }
0x55: {  	_ =	shalt  }
0x56: {  	_ =	shalt  }
0x57: {  	_ =	shalt  }
0x58: {  	_ =	shalt  }
0x59: {  	_ =	shalt  }
0x5a: {  	_ =	shalt  }
0x5b: {  	_ =	shalt  }
0x5c: {  	_ =	shalt  }
0x5d: {  	_ =	shalt  }
0x5e: {  	_ =	shalt  }
0x5f: {  	_ =	shalt  }
0x60: {  	_ =	shalt  }
0x61: {  	_ =	shalt  }
0x62: {  	_ =	shalt  }
0x63: {  	_ =	shalt  }
0x64: {  	_ =	shalt  }
0x65: {  	_ =	shalt  }
0x66: {  	_ =	shalt  }
0x67: {  	_ =	shalt  }
0x68: {  	_ =	shalt  }
0x69: {  	_ =	shalt  }
0x6a: {  	_ =	shalt  }
0x6b: {  	_ =	shalt  }
0x6c: {  	_ =	shalt  }
0x6d: {  	_ =	shalt  }
0x6e: {  	_ =	shalt  }
0x6f: {  	_ =	shalt  }
0x70: {  	_ =	shalt  }
0x71: {  	_ =	shalt  }
0x72: {  	_ =	shalt  }
0x73: {  	_ =	shalt  }
0x74: {  	_ =	shalt  }
0x75: {  	_ =	shalt  }
0x76: {  	_ =	shalt  }
0x77: {  	_ =	shalt  }
0x78: {  	_ =	shalt  }
0x79: {  	_ =	shalt  }
0x7a: {  	_ =	shalt  }
0x7b: {  	_ =	shalt  }
0x7c: {  	_ =	shalt  }
0x7d: {  	_ =	shalt  }
0x7e: {  	_ =	shalt  }
0x7f: {  	_ =	shalt  }
0x80: {  	_ =	shalt  }
0x81: {  	_ =	shalt  }
0x82: {  	_ =	shalt  }
0x83: {  	_ =	shalt  }
0x84: {  	_ =	shalt  }
0x85: {  	_ =	shalt  }
0x86: {  	_ =	shalt  }
0x87: {  	_ =	shalt  }
.Lfunc_end0:
.L_simem_size_0:
called_computation_lowered:
.L_overlay_start_0:
0x88: {  	s2 =	sld [smem:$0x3FD9]  }
0x89: {  	s3 =	sld [smem:$0x3FFE];
	_ =	sdelay $0x1  }
0x8a: {  	s1 =	srdreg.scid  }
0x8b: {  	s0 =	sand.u32 $0x1, s1  }
0x8c: {  	s17 =	sshll.u32 s0, $0xA;
	s2 =	sadd.s32 s3, s2  }
0x8d: {  	s2 =	sadd.s32 s2, s17  }
0x8e: {  	[smem:$0x3FC5] =	sst s2  }
0x8f: {  	_ = 	snop  }
0x90: {  	s2 =	sld [smem:$0x3FD0];
	(tm) =	ssettm $0x1  }
0x91: {  	s18 =	sld [smem:$0x3FFB];
	_ =	sdelay $0x3  }
0x92: {  	_ =	strace s18  }
0x93: {  	s3 =	sld [smem:$0x3FFC];
	_ =	sdelay $0x3  }
0x94: {  	_ =	strace s3  }
0x95: {  	s3 =	sld [smem:$0x3FFD];
	_ =	sdelay $0x3  }
0x96: {  	_ =	strace s3  }
0x97: {  	_ =	strace $0x8FFFFFFF  }
0x98: {  	s19 =	sld [smem:$0x3FDB];
	_ =	sdelay $0x1  }
0x99: {  	s4 =	simm.s32 $_scs_section_size  }
0x9a: {  	s5 =	simm.s32 $_size__tile_overlayer_lowered;
	s6 =	simm.s32 $_tile_overlayer_lowered  }
0x9b: {  	s22 =	simm.s32 $0x1BFF;
	s21 =	sshll.u32 s6, $0x1;
	s3 =	sadd.s32 s4, s19  }
0x9c: {  	s7 =	simm.s32 $0x0;
	s20 =	sshll.u32 s5, $0x1;
	s5 =	sadd.s32 s21, s3  }
0x9d: {  	[timem:s7], [sflag:s22] =	dma.local [hbm:s5], s20  }
0x9e: {  	_ =	swait.ge [sflag:s22], s20  }
0x9f: {  	s4 =	ssub.s32 $0x0, s20;
	[sflag:s22] =	ssyncset.done $0x0  }
0xa0: {  	[sflag:s22] =	ssyncadd.s32 s4;
	_ =	sdelay $0x1  }
0xa1: {  	s23 =	simm.s32 $0x1B8B  }
0xa2: {  	_ =	swait.ge [sflag:s23], $0x1  }
0xa3: {  	[sflag:s23] =	ssyncset.done $0x0  }
0xa4: {  	s25 =	simm.s32 $0x1B8E;
	s24 =	sld [smem:$0x3FFE];
	[sflag:s23] =	ssyncadd.s32 $0xFFFFFFFF  }
0xa5: {  	s26 =	simm.s32 $execute0_lowered;
	[smem:$0x3FD2] =	sst s25  }
0xa6: {  	s5 =	sshll.u32 s26, $0x1;
	_ =	strace $0x80000046;
	[dreg:$0x1] =	wrdreg $0xFFFFFFFF  }
0xa7: {  	s28 =	simm.s32 $_size_execute0_lowered;
	s3 =	sadd.s32 s3, s5;
	[dreg:$0x0] =	wrdreg $0x0  }
0xa8: {  	s5 =	sshll.u32 s28, $0x1;
	[dreg:$0x2] =	wrdreg s3  }
0xa9: {  	[dreg:$0x3] =	wrdreg s5  }
0xaa: {  	[dreg:$0x4] =	wrdreg $0xC0  }
0xab: {  	_ =	task [dreg:s7], $0x5FFFF  }
0xac: {  	[dreg:$0x1] =	wrdreg $0xFFFFFFFF  }
0xad: {  	[dreg:$0x0] =	wrdreg $0x60  }
0xae: {  	[dreg:$0x2] =	wrdreg s2  }
0xaf: {  	[dreg:$0x3] =	wrdreg s24  }
0xb0: {  	[dreg:$0x4] =	wrdreg $0x9  }
0xb1: {  	_ =	task.clear_ibuf [dreg:s7], $0x5FFFF;
	_ =	strace $0x90000046  }
0xb2: {  	s29 =	simm.s32 $0x9;
	_ =	strace $0x80000048  }
0xb3: {  	_ =	swait.ge [sflag:s29], $0x1  }
0xb4: {  	[sflag:s29] =	ssyncadd.s32 $0xFFFFFFFF  }
0xb5: {  	_ =	strace $0x90000048  }
0xb6: {  	_ =	sfence  }
0xb7: {  	s30 =	sld [smem:$0x0];
	_ =	sdelay $0x2  }
0xb8: {  	s31 =	sshll.u32 s1, $0xD;
	s1 =	sshrl.u32 s1, $0x2  }
0xb9: {  	s3 =	sand.u32 $0x4000, s31;
	s1 =	sadd.s32 s1, s30  }
0xba: {  	s0 =	sor.u32 s3, s0;
	s1 =	sshll.u32 s1, $0x11  }
0xbb: {  	s0 =	sor.u32 s1, s0  }
0xbc: {  	s0 =	sadd.s32 $0x8F2B, s0  }
0xbd: {  	[sflag:s0] =	ssyncadd.remote.s32 $0x1  }
0xbe: {  	_ =	sfence.sel $0xFFFF  }
0xbf: {  	[dreg:$0x0] =	wrdreg $0xFFFFFFFF;
	(pc) =	sbr.abs _section_cstart, $3  }
0xc0: {  	[dreg:$0x1] =	wrdreg $0xFFFFFFFF  }
0xc1: {  	_ =	task.clear_ibuf [dreg:s7], $0x2FFFF;
	_ =	strace $0x9FFFFFFF  }
0xc2: {  	(tm) =	ssettm $0x7FFFFFFF  }
0xc3: {  	_ =	shalt  }
tec
execute0_lowered:
.L_overlay_start_1:
0x0: {  	(tag) =	ssettag $0x1  }
0x1: {  	s1 =	stileid.u32  }
0x2: {  	p0 =	sgt.u32 s1, $0x1  }
.Ltmp0:
0x3: {  	_ = 	snop;
	(pc) =	sbr.rel @p0 .LBB2_4-.Ltmp0, $4  }
0x4: {  	s3 =	rddreg [dreg:$0x0]  }
0x5: {  	s7 =	rddreg [dreg:$0x1];
	s2 =	simm.s32 $0x0  }
0x6: {  	[smem:$0x7FF] =	sst s2  }
0x7: {  	s0 =	rddreg [dreg:$0x2];
	_ =	strace $0x80000047  }
0x8: {  	s4 =	srdreg.scid  }
0x9: {  	s30 =	sshll.u32 s1, $0x1;
	s8 =	sand.u32 $0x1, s4  }
0xa: {  	s9 =	sor.u32 s8, s30  }
0xb: {  	s5 =	sshll.u32 s9, $0x2  }
0xc: {  	s4 =	sadd.s32 s3, s5;
	s3 =	simm.s32 $0x1  }
0xd: {  	[tilespmem:s2], [sflag:$0x1] =	stream.linear.gather [hbm4b:s4+s2], $0x20, $0x38;
	[tilespmem:$0x180] =	vst v63  }
0xe: {  	_ =	swait.ge [sflag:s3], $0x20  }
0xf: {  	[sflag:s3] =	ssyncset.done $0x0  }
0x10: {  	s6 =	simm.s32 $0x80;
	s5 =	sadd.s32 s7, s5;
	[sflag:s3] =	ssyncadd.s32 $0xFFFFFFE0  }
0x11: {  	[tilespmem:s6], [sflag:$0x1] =	stream.linear.gather [hbm4b:s5+s2], $0x20, $0x38;
	[tilespmem:$0x180] =	vst v63  }
0x12: {  	_ =	swait.ge [sflag:s3], $0x20  }
0x13: {  	[sflag:s3] =	ssyncset.done $0x0  }
0x14: {  	[sflag:s3] =	ssyncadd.s32 $0xFFFFFFE0  }
0x15: {  	v6 =	vld [tilespmem:$0x80]  }
0x16: {  	v14 =	vld [tilespmem:$0x90]  }
0x17: {  	v1 =	vlaneseq.u32;
	s8 =	ssub.s32 $0x2, s8;
	v7 =	vld [tilespmem:$0x0]  }
0x18: {  	v2 =	vor.u32 $0x10, v1;
	v3 =	vor.u32 $0x20, v1;
	s10 =	sshrl.u32 s8, $0x1;
	v8 =	vld [tilespmem:$0x10]  }
0x19: {  	v0 =	vor.u32 $0x30, v1;
	v4 =	vor.u32 $0x40, v1;
	v5 =	vor.u32 $0x50, v1;
	s8 =	ssub.s32 s8, s10  }
0x1a: {  	s10 =	smax.u32 s8, $0x1;
	vm2 =	veq.s32 v6, v1;
	vm3 =	veq.s32 v6, v2;
	vm4 =	veq.s32 v6, v3  }
0x1b: {  	p0 =	sne.s32 s10, $0x1;
	vm5 =	veq.s32 v14, v1;
	vm6 =	veq.s32 v14, v2;
	vm1 =	veq.s32 v6, v5  }
.Ltmp1:
0x1c: {  	vm0 =	veq.s32 v14, v0;
	vm7 =	veq.s32 v6, v4;
	vm8 =	veq.s32 v14, v4;
	(pc) =	sbr.rel @!p0 .LBB2_3-.Ltmp1, $4  }
0x1d: {  	s9 =	smul.u32 $0xB, s9;
	v11 =	vnsel vm5, $0x0, v8;
	v9 =	vnsel vm4, $0x0, v7;
	v15 =	vnsel vm8, $0x0, v8  }
0x1e: {  	v12 =	vnsel vm2, $0x0, v7;
	v10 =	vnsel vm3, $0x0, v7;
	vm2 =	veq.s32 v14, v5  }
0x1f: {  	s31 =	sadd.s32 s9, s7;
	v16 =	vnsel vm6, $0x0, v8;
	v17 =	vnsel vm7, $0x0, v7;
	v13 =	vnsel vm2, $0x0, v8  }
0x20: {  	s8 =	simm.s32 $0x100;
	s7 =	sadd.s32 $0x200, s31;
	s9 =	sadd.s32 $0xFFFFFFFF, s10;
	v10 =	vadd.f32 v16, v10;
	vm2 =	veq.s32 v14, v3;
	v14 =	vadd.f32 v15, v17  }
.LBB2_2:
0x21: {  	p0 =	sne.s32 s9, $0x1;
	s9 =	sadd.s32 $0xFFFFFFFF, s9;
	v11 =	vadd.f32 v11, v12;
	v12 =	vnsel vm2, $0x0, v8;
	v15 =	vnsel vm1, $0x0, v7  }
0x22: {  	v8 =	vnsel vm0, $0x0, v8;
	v9 =	vadd.f32 v12, v9;
	[tilespmem:$0x140] =	vst v14;
	v12 =	vadd.f32 v13, v15  }
0x23: {  	vm0 =	veq.s32 v6, v0;
	[tilespmem:$0x100] =	vst v11  }
0x24: {  	v6 =	vnsel vm0, $0x0, v7;
	[tilespmem:$0x120] =	vst v9  }
0x25: {  	v6 =	vadd.f32 v8, v6;
	[tilespmem:$0x150] =	vst v12  }
0x26: {  	[tilespmem:$0x110] =	vst v10  }
0x27: {  	[tilespmem:$0x130] =	vst v6  }
0x28: {  	[hbm4b:s7+s2] =	stream.linear.scatter [tilespmem:s8], [sflag:$0x1], $0x58, $0x38;
	[tilespmem:$0x180] =	vst v63  }
0x29: {  	_ =	swait.ge [sflag:s3], $0x58  }
0x2a: {  	[sflag:s3] =	ssyncset.done $0x0  }
0x2b: {  	[sflag:s3] =	ssyncadd.s32 $0xFFFFFFA8  }
0x2c: {  	[tilespmem:s2], [sflag:$0x1] =	stream.linear.gather [hbm4b:s4+s2], $0x20, $0x38;
	[tilespmem:$0x180] =	vst v63  }
0x2d: {  	_ =	swait.ge [sflag:s3], $0x20  }
0x2e: {  	[sflag:s3] =	ssyncset.done $0x0  }
0x2f: {  	[sflag:s3] =	ssyncadd.s32 $0xFFFFFFE0  }
0x30: {  	[tilespmem:s6], [sflag:$0x1] =	stream.linear.gather [hbm4b:s5+s2], $0x20, $0x38;
	[tilespmem:$0x180] =	vst v63  }
0x31: {  	_ =	swait.ge [sflag:s3], $0x20  }
0x32: {  	[sflag:s3] =	ssyncset.done $0x0  }
0x33: {  	[sflag:s3] =	ssyncadd.s32 $0xFFFFFFE0  }
0x34: {  	v6 =	vld [tilespmem:$0x80]  }
0x35: {  	v14 =	vld [tilespmem:$0x90]  }
0x36: {  	v7 =	vld [tilespmem:$0x0]  }
0x37: {  	v8 =	vld [tilespmem:$0x10];
	_ =	sdelay $0x1  }
0x38: {  	vm2 =	veq.s32 v6, v1;
	vm3 =	veq.s32 v6, v2;
	vm4 =	veq.s32 v6, v3  }
0x39: {  	vm1 =	veq.s32 v6, v5;
	vm5 =	veq.s32 v14, v1;
	vm6 =	veq.s32 v14, v2  }
.Ltmp2:
0x3a: {  	vm7 =	veq.s32 v6, v4;
	vm0 =	veq.s32 v14, v0;
	vm8 =	veq.s32 v14, v4;
	(pc) =	sbr.rel @p0 .LBB2_2-.Ltmp2, $4  }
0x3b: {  	v9 =	vnsel vm4, $0x0, v7;
	v11 =	vnsel vm5, $0x0, v8;
	v15 =	vnsel vm8, $0x0, v8  }
0x3c: {  	v12 =	vnsel vm2, $0x0, v7;
	v10 =	vnsel vm3, $0x0, v7;
	vm2 =	veq.s32 v14, v5  }
0x3d: {  	v17 =	vnsel vm7, $0x0, v7;
	v16 =	vnsel vm6, $0x0, v8;
	v13 =	vnsel vm2, $0x0, v8  }
0x3e: {  	vm2 =	veq.s32 v14, v3;
	v10 =	vadd.f32 v16, v10;
	v14 =	vadd.f32 v15, v17  }
.LBB2_3:
0x3f: {  	_ = 	snop  }
0x40: {  	v1 =	vadd.f32 v11, v12;
	v2 =	vnsel vm2, $0x0, v8;
	[tilespmem:$0x140] =	vst v14  }
0x41: {  	v3 =	vnsel vm1, $0x0, v7;
	vm15 =	veq.s32 v6, v0;
	v2 =	vadd.f32 v2, v9;
	[tilespmem:$0x110] =	vst v10  }
0x42: {  	v62 =	vnsel vm0, $0x0, v8;
	v3 =	vadd.f32 v13, v3;
	v63 =	vnsel vm15, $0x0, v7;
	[tilespmem:$0x100] =	vst v1  }
0x43: {  	v0 =	vadd.f32 v62, v63;
	[tilespmem:$0x120] =	vst v2  }
0x44: {  	[tilespmem:$0x150] =	vst v3  }
0x45: {  	[tilespmem:$0x130] =	vst v0  }
0x46: {  	[hbm4b:s7+s2] =	stream.linear.scatter [tilespmem:s8], [sflag:$0x1], $0x58, $0x38;
	[tilespmem:$0x180] =	vst v63  }
0x47: {  	_ =	swait.ge [sflag:s3], $0x58  }
0x48: {  	[sflag:s3] =	ssyncset.done $0x0  }
0x49: {  	[sflag:s3] =	ssyncadd.s32 $0xFFFFFFA8  }
.LBB2_4:
0x4a: {  	_ =	sfence.sel $0x180000  }
0x4b: {  	[bflag:$0x0] =	sbarrier.arrive $0xFFFF  }
0x4c: {  	p0 =	sne.s32 s1, $0x0;
	_ =	strace $0x90000047  }
0x4d: {  	s0 =	sadd.s32 @!p0 $0x100000, s0;
	[bflag:$0x2] =	sbarrier.arrive $0xFFFF  }
0x4e: {  	[sflag:s0] =	ssyncadd.tile.s32 @!p0 $0x1;
	_ =	shalt  }
.Lfunc_end2:
_tile_overlayer_lowered:
.L_overlay_start_2:
0x4f: {  	(tag) =	ssettag $0x2  }
0x50: {  	s0 =	rddreg [dreg:$0x0];
	s2 =	stileid.u32  }
0x51: {  	s1 =	rddreg [dreg:$0x1];
	p0 =	sne.s32 s2, $0x0  }
0x52: {  	s3 =	rddreg [dreg:$0x2];
	[bflag:$0x3] =	sbarrier.arrive $0xFFFF;
	s2 =	simm.s32 @!p0 $0x1C01  }
0x53: {  	[timem:s3], [sflag:s2] =	dma.local @!p0 [hbm:s0], s1  }
0x54: {  	s0 =	simm.s32 @!p0 $0x1  }
0x55: {  	_ =	swait.ge @!p0 [sflag:s0], s1  }
0x56: {  	s1 =	ssub.s32 @!p0 $0x0, s1;
	[sflag:s0] =	ssyncset.done @!p0 $0x0  }
0x57: {  	[sflag:s0] =	ssyncadd.s32 @!p0 s1  }
0x58: {  	[bflag:$0x3] =	sbarrier.arrive $0xFFFF  }
0x59: {  	_ =	shalt  }

</sc_bundles>
